<compile_context>
chip_gen: v7x
topology: tpu7x:2x2x1
jax: 0.10.2.dev20260603
libtpu: 0.0.44.dev20260713+nightly
codegen_flags: <defaults>
</compile_context>

<pallas_src>
import functools

import jax
import jax.numpy as jnp
from jax import lax
from jax.experimental import pallas as pl
from jax.experimental.pallas import tpu as pltpu
from jax.experimental.pallas import tpu_sc as plsc

_INFO = plsc.get_sparse_core_info()
_NC = _INFO.num_cores
_NS = _INFO.num_subcores
_NW = _NC * _NS

_CHUNK = 128


def kernel(input_ids, decoder_input_ids, table):
    B, S_enc = input_ids.shape
    _, S_dec = decoder_input_ids.shape
    V, D = table.shape
    n_enc = B * S_enc
    n_dec = B * S_dec
    enc_per_w = n_enc // _NW
    dec_per_w = n_dec // _NW
    k_enc = enc_per_w // _CHUNK
    k_dec = dec_per_w // _CHUNK
    k_tot = k_enc + k_dec
    wpr_enc = S_enc // enc_per_w
    wpr_dec = S_dec // dec_per_w

    mesh = plsc.VectorSubcoreMesh(core_axis_name="c", subcore_axis_name="s")

    @functools.partial(
        pl.kernel,
        mesh=mesh,
        out_type=(
            jax.ShapeDtypeStruct((B, S_enc, D), jnp.float32),
            jax.ShapeDtypeStruct((B, S_dec, D), jnp.float32),
        ),
        scratch_types=[
            pltpu.VMEM((k_tot * _CHUNK,), jnp.int32),
            pltpu.VMEM((k_tot * _CHUNK, D), jnp.float32),
            pltpu.SemaphoreType.DMA,
            pltpu.SemaphoreType.DMA,
            pltpu.SemaphoreType.DMA,
        ],
    )
    def k(enc_hbm, dec_hbm, table_hbm, out_enc, out_dec, idx_v, rows_v, isem, gsem, osem):
        wid = lax.axis_index("s") * _NC + lax.axis_index("c")
        idx_copies = []
        for j in range(k_enc):
            idx_copies.append(pltpu.async_copy(
                enc_hbm.at[
                    wid // wpr_enc,
                    pl.ds((wid % wpr_enc) * enc_per_w + j * _CHUNK, _CHUNK),
                ],
                idx_v.at[pl.ds(j * _CHUNK, _CHUNK)],
                isem,
            ))
        for j in range(k_dec):
            idx_copies.append(pltpu.async_copy(
                dec_hbm.at[
                    wid // wpr_dec,
                    pl.ds((wid % wpr_dec) * dec_per_w + j * _CHUNK, _CHUNK),
                ],
                idx_v.at[pl.ds((k_enc + j) * _CHUNK, _CHUNK)],
                isem,
            ))
        for c in idx_copies:
            c.wait()
        pltpu.async_copy(table_hbm.at[idx_v], rows_v, gsem).wait()
        outs = []
        for j in range(k_tot):
            if j < k_enc:
                flat = wid * enc_per_w + j * _CHUNK
                dst = out_enc.at[flat // S_enc, pl.ds(flat % S_enc, _CHUNK)]
            else:
                flat = wid * dec_per_w + (j - k_enc) * _CHUNK
                dst = out_dec.at[flat // S_dec, pl.ds(flat % S_dec, _CHUNK)]
            outs.append(pltpu.async_copy(rows_v.at[pl.ds(j * _CHUNK, _CHUNK)], dst, osem))
        for o in outs:
            o.wait()

    return k(
        input_ids.astype(jnp.int32),
        decoder_input_ids.astype(jnp.int32),
        table,
    )

# --- scband reference (transcript-rebuilt; emitter-appended) ---
"""Pipeline reference for scband-shared-embedding-5952824672600 (READ-ONLY COPY).

The authoritative reference and input builder live on the scoring server;
editing this copy changes nothing except your own understanding.
"""

import jax, jax.numpy as jnp
import numpy as np

VOCAB = 100000
EMBED_DIM = 128
BATCH = 4
SEQ = 2048


def setup_inputs(seed: int = 0) -> dict:
    key = jax.random.key(seed)
    k1, k2, k3 = jax.random.split(key, 3)
    input_ids = jax.random.randint(k1, (BATCH, SEQ), 0, VOCAB, dtype=jnp.int64 if jax.config.jax_enable_x64 else jnp.int32)
    decoder_input_ids = jax.random.randint(k2, (BATCH, SEQ), 0, VOCAB, dtype=jnp.int64 if jax.config.jax_enable_x64 else jnp.int32)
    table = jax.random.normal(k3, (VOCAB, EMBED_DIM), dtype=jnp.float32) * 0.02
    return {"input_ids": input_ids, "decoder_input_ids": decoder_input_ids, "table": table}


def reference(input_ids, decoder_input_ids, table):
    # SharedEmbedding.forward with both input_ids and decoder_input_ids provided,
    # encoder_embed_scale=None, decoder_embed_scale=None.
    idx = input_ids.shape[1]
    combined = jnp.concatenate([input_ids, decoder_input_ids], axis=1)  # [B, S_enc + S_dec]
    embeds = jnp.take(table, combined, axis=0)  # gather -> [B, S_enc+S_dec, D]
    encoder_inputs_embeds = embeds[:, :idx, :]
    decoder_inputs_embeds = embeds[:, idx:, :]
    return (encoder_inputs_embeds, decoder_inputs_embeds)

if __name__ == "__main__":
    import jax
    _d = setup_inputs()
    print(jax.jit(kernel)(*tuple(_d.values())))

</pallas_src>

<mosaic_0001>
#map = affine_map<(d0, d1) -> (0, 0)>
#map1 = affine_map<(d0, d1) -> (0, 0, 0)>
module attributes {stable_mosaic.version = 14 : i64} {
  func.func @k(%arg0: i32, %arg1: i32, %arg2: memref<4x2048xi32, #tpu.memory_space<hbm>>, %arg3: memref<4x2048xi32, #tpu.memory_space<hbm>>, %arg4: memref<100000x128xf32, #tpu.memory_space<hbm>>, %arg5: memref<4x2048x128xf32, #tpu.memory_space<hbm>>, %arg6: memref<4x2048x128xf32, #tpu.memory_space<hbm>>, %arg7: memref<512xi32, #tpu.memory_space<vmem>>, %arg8: memref<512x128xf32, #tpu.memory_space<vmem>>, %arg9: memref<!tpu.dma_semaphore, #tpu.memory_space<semaphore_mem>>, %arg10: memref<!tpu.dma_semaphore, #tpu.memory_space<semaphore_mem>>, %arg11: memref<!tpu.dma_semaphore, #tpu.memory_space<semaphore_mem>>) attributes {dimension_semantics = [#tpu.dimension_semantics<core_parallel>, #tpu.dimension_semantics<subcore_parallel>], iteration_bounds = array<i64: 2, 16>, scalar_prefetch = 0 : i64, scratch_operands = 5 : i64, tpu.core_type = #tpu.core_type<sc_vector_subcore>, window_params = [{transform_indices = #map}, {transform_indices = #map}, {transform_indices = #map}, {transform_indices = #map1}, {transform_indices = #map1}]} {
    %mul3A = arith.constant 2 : i32
    %mul3A_0 = arith.muli %arg1, %mul3A : i32
    %add3A = arith.addi %mul3A_0, %arg0 : i32
    %jit3A = arith.constant 8 : i32
    %div3A = arith.divsi %add3A, %jit3A : i32
    %sign3A = arith.constant 0 : i32
    %sign3A_1 = arith.cmpi sgt, %add3A, %sign3A : i32
    %sign3A_2 = arith.extui %sign3A_1 : i1 to i32
    %sign3A_3 = arith.constant 0 : i32
    %sign3A_4 = arith.cmpi slt, %add3A, %sign3A_3 : i32
    %sign3A_5 = arith.extui %sign3A_4 : i1 to i32
    %sign3A_6 = arith.subi %sign3A_2, %sign3A_5 : i32
    %sign3A_7 = arith.constant 0 : i32
    %sign3A_8 = arith.cmpi sgt, %jit3A, %sign3A_7 : i32
    %sign3A_9 = arith.extui %sign3A_8 : i1 to i32
    %sign3A_10 = arith.constant 0 : i32
    %sign3A_11 = arith.cmpi slt, %jit3A, %sign3A_10 : i32
    %sign3A_12 = arith.extui %sign3A_11 : i1 to i32
    %sign3A_13 = arith.subi %sign3A_9, %sign3A_12 : i32
    %ne3A = arith.cmpi ne, %sign3A_6, %sign3A_13 : i32
    %rem3A = arith.remsi %add3A, %jit3A : i32
    %ne3A_14 = arith.constant 0 : i32
    %ne3A_15 = arith.cmpi ne, %rem3A, %ne3A_14 : i32
    %and3A = arith.andi %ne3A, %ne3A_15 : i1
    %sub3A = arith.constant 1 : i32
    %sub3A_16 = arith.subi %div3A, %sub3A : i32
    %select_n3A = arith.select %and3A, %sub3A_16, %div3A : i32
    %jit3A_17 = arith.constant 8 : i32
    %eq3A = arith.constant 0 : i32
    %eq3A_18 = arith.cmpi eq, %jit3A_17, %eq3A : i32
    %jit3A_19 = arith.constant 1 : i32
    %select_n3A_20 = arith.select %eq3A_18, %jit3A_19, %jit3A_17 : i32
    %rem3A_21 = arith.remsi %add3A, %select_n3A_20 : i32
    %ne3A_22 = arith.constant 0 : i32
    %ne3A_23 = arith.cmpi ne, %rem3A_21, %ne3A_22 : i32
    %lt3A = arith.constant 0 : i32
    %lt3A_24 = arith.cmpi slt, %rem3A_21, %lt3A : i32
    %lt3A_25 = arith.constant 0 : i32
    %lt3A_26 = arith.cmpi slt, %select_n3A_20, %lt3A_25 : i32
    %ne3A_27 = arith.xori %lt3A_24, %lt3A_26 : i1
    %and3A_28 = arith.andi %ne3A_27, %ne3A_23 : i1
    %add3A_29 = arith.addi %rem3A_21, %select_n3A_20 : i32
    %select_n3A_30 = arith.select %and3A_28, %add3A_29, %rem3A_21 : i32
    %mul3A_31 = arith.constant 256 : i32
    %mul3A_32 = arith.muli %select_n3A_30, %mul3A_31 : i32
    %add3A_33 = arith.constant 0 : i32
    %add3A_34 = arith.addi %mul3A_32, %add3A_33 : i32
    %dma_start3A = arith.constant 0 : i32
    %dma_start3A_35 = tpu.memref_slice %arg7[%dma_start3A] : memref<512xi32, #tpu.memory_space<vmem>> -> memref<128xi32, #tpu.memory_space<vmem>>
    %dma_start3A_36 = tpu.memref_slice %arg2[%select_n3A, %add3A_34] : memref<4x2048xi32, #tpu.memory_space<hbm>> -> memref<1x128xi32, #tpu.memory_space<hbm>>
    %dma_start3A_37 = tpu.memref_squeeze %dma_start3A_36 : memref<1x128xi32, #tpu.memory_space<hbm>> -> memref<128xi32, #tpu.memory_space<hbm>>
    %dma_start3A_38 = arith.constant 0 : i32
    %dma_start3A_39 = tpu.memref_slice %arg7[%dma_start3A_38] : memref<512xi32, #tpu.memory_space<vmem>> -> memref<128xi32, #tpu.memory_space<vmem>>
    %dma_start3A_40 = tpu.memref_slice %arg2[%select_n3A, %add3A_34] : memref<4x2048xi32, #tpu.memory_space<hbm>> -> memref<1x128xi32, #tpu.memory_space<hbm>>
    %dma_start3A_41 = tpu.memref_squeeze %dma_start3A_40 : memref<1x128xi32, #tpu.memory_space<hbm>> -> memref<128xi32, #tpu.memory_space<hbm>>
    tpu.enqueue_dma source(%dma_start3A_41 : memref<128xi32, #tpu.memory_space<hbm>>) target(%dma_start3A_39 : memref<128xi32, #tpu.memory_space<vmem>>) target_semaphore(%arg9 : memref<!tpu.dma_semaphore, #tpu.memory_space<semaphore_mem>>)
    %jit3A_42 = arith.constant 8 : i32
    %div3A_43 = arith.divsi %add3A, %jit3A_42 : i32
    %sign3A_44 = arith.constant 0 : i32
    %sign3A_45 = arith.cmpi sgt, %add3A, %sign3A_44 : i32
    %sign3A_46 = arith.extui %sign3A_45 : i1 to i32
    %sign3A_47 = arith.constant 0 : i32
    %sign3A_48 = arith.cmpi slt, %add3A, %sign3A_47 : i32
    %sign3A_49 = arith.extui %sign3A_48 : i1 to i32
    %sign3A_50 = arith.subi %sign3A_46, %sign3A_49 : i32
    %sign3A_51 = arith.constant 0 : i32
    %sign3A_52 = arith.cmpi sgt, %jit3A_42, %sign3A_51 : i32
    %sign3A_53 = arith.extui %sign3A_52 : i1 to i32
    %sign3A_54 = arith.constant 0 : i32
    %sign3A_55 = arith.cmpi slt, %jit3A_42, %sign3A_54 : i32
    %sign3A_56 = arith.extui %sign3A_55 : i1 to i32
    %sign3A_57 = arith.subi %sign3A_53, %sign3A_56 : i32
    %ne3A_58 = arith.cmpi ne, %sign3A_50, %sign3A_57 : i32
    %rem3A_59 = arith.remsi %add3A, %jit3A_42 : i32
    %ne3A_60 = arith.constant 0 : i32
    %ne3A_61 = arith.cmpi ne, %rem3A_59, %ne3A_60 : i32
    %and3A_62 = arith.andi %ne3A_58, %ne3A_61 : i1
    %sub3A_63 = arith.constant 1 : i32
    %sub3A_64 = arith.subi %div3A_43, %sub3A_63 : i32
    %select_n3A_65 = arith.select %and3A_62, %sub3A_64, %div3A_43 : i32
    %jit3A_66 = arith.constant 8 : i32
    %eq3A_67 = arith.constant 0 : i32
    %eq3A_68 = arith.cmpi eq, %jit3A_66, %eq3A_67 : i32
    %jit3A_69 = arith.constant 1 : i32
    %select_n3A_70 = arith.select %eq3A_68, %jit3A_69, %jit3A_66 : i32
    %rem3A_71 = arith.remsi %add3A, %select_n3A_70 : i32
    %ne3A_72 = arith.constant 0 : i32
    %ne3A_73 = arith.cmpi ne, %rem3A_71, %ne3A_72 : i32
    %lt3A_74 = arith.constant 0 : i32
    %lt3A_75 = arith.cmpi slt, %rem3A_71, %lt3A_74 : i32
    %lt3A_76 = arith.constant 0 : i32
    %lt3A_77 = arith.cmpi slt, %select_n3A_70, %lt3A_76 : i32
    %ne3A_78 = arith.xori %lt3A_75, %lt3A_77 : i1
    %and3A_79 = arith.andi %ne3A_78, %ne3A_73 : i1
    %add3A_80 = arith.addi %rem3A_71, %select_n3A_70 : i32
    %select_n3A_81 = arith.select %and3A_79, %add3A_80, %rem3A_71 : i32
    %mul3A_82 = arith.constant 256 : i32
    %mul3A_83 = arith.muli %select_n3A_81, %mul3A_82 : i32
    %add3A_84 = arith.constant 128 : i32
    %add3A_85 = arith.addi %mul3A_83, %add3A_84 : i32
    %dma_start3A_86 = arith.constant 128 : i32
    %dma_start3A_87 = tpu.memref_slice %arg7[%dma_start3A_86] : memref<512xi32, #tpu.memory_space<vmem>> -> memref<128xi32, #tpu.memory_space<vmem>>
    %dma_start3A_88 = tpu.memref_slice %arg2[%select_n3A_65, %add3A_85] : memref<4x2048xi32, #tpu.memory_space<hbm>> -> memref<1x128xi32, #tpu.memory_space<hbm>>
    %dma_start3A_89 = tpu.memref_squeeze %dma_start3A_88 : memref<1x128xi32, #tpu.memory_space<hbm>> -> memref<128xi32, #tpu.memory_space<hbm>>
    %dma_start3A_90 = arith.constant 128 : i32
    %dma_start3A_91 = tpu.memref_slice %arg7[%dma_start3A_90] : memref<512xi32, #tpu.memory_space<vmem>> -> memref<128xi32, #tpu.memory_space<vmem>>
    %dma_start3A_92 = tpu.memref_slice %arg2[%select_n3A_65, %add3A_85] : memref<4x2048xi32, #tpu.memory_space<hbm>> -> memref<1x128xi32, #tpu.memory_space<hbm>>
    %dma_start3A_93 = tpu.memref_squeeze %dma_start3A_92 : memref<1x128xi32, #tpu.memory_space<hbm>> -> memref<128xi32, #tpu.memory_space<hbm>>
    tpu.enqueue_dma source(%dma_start3A_93 : memref<128xi32, #tpu.memory_space<hbm>>) target(%dma_start3A_91 : memref<128xi32, #tpu.memory_space<vmem>>) target_semaphore(%arg9 : memref<!tpu.dma_semaphore, #tpu.memory_space<semaphore_mem>>)
    %jit3A_94 = arith.constant 8 : i32
    %div3A_95 = arith.divsi %add3A, %jit3A_94 : i32
    %sign3A_96 = arith.constant 0 : i32
    %sign3A_97 = arith.cmpi sgt, %add3A, %sign3A_96 : i32
    %sign3A_98 = arith.extui %sign3A_97 : i1 to i32
    %sign3A_99 = arith.constant 0 : i32
    %sign3A_100 = arith.cmpi slt, %add3A, %sign3A_99 : i32
    %sign3A_101 = arith.extui %sign3A_100 : i1 to i32
    %sign3A_102 = arith.subi %sign3A_98, %sign3A_101 : i32
    %sign3A_103 = arith.constant 0 : i32
    %sign3A_104 = arith.cmpi sgt, %jit3A_94, %sign3A_103 : i32
    %sign3A_105 = arith.extui %sign3A_104 : i1 to i32
    %sign3A_106 = arith.constant 0 : i32
    %sign3A_107 = arith.cmpi slt, %jit3A_94, %sign3A_106 : i32
    %sign3A_108 = arith.extui %sign3A_107 : i1 to i32
    %sign3A_109 = arith.subi %sign3A_105, %sign3A_108 : i32
    %ne3A_110 = arith.cmpi ne, %sign3A_102, %sign3A_109 : i32
    %rem3A_111 = arith.remsi %add3A, %jit3A_94 : i32
    %ne3A_112 = arith.constant 0 : i32
    %ne3A_113 = arith.cmpi ne, %rem3A_111, %ne3A_112 : i32
    %and3A_114 = arith.andi %ne3A_110, %ne3A_113 : i1
    %sub3A_115 = arith.constant 1 : i32
    %sub3A_116 = arith.subi %div3A_95, %sub3A_115 : i32
    %select_n3A_117 = arith.select %and3A_114, %sub3A_116, %div3A_95 : i32
    %jit3A_118 = arith.constant 8 : i32
    %eq3A_119 = arith.constant 0 : i32
    %eq3A_120 = arith.cmpi eq, %jit3A_118, %eq3A_119 : i32
    %jit3A_121 = arith.constant 1 : i32
    %select_n3A_122 = arith.select %eq3A_120, %jit3A_121, %jit3A_118 : i32
    %rem3A_123 = arith.remsi %add3A, %select_n3A_122 : i32
    %ne3A_124 = arith.constant 0 : i32
    %ne3A_125 = arith.cmpi ne, %rem3A_123, %ne3A_124 : i32
    %lt3A_126 = arith.constant 0 : i32
    %lt3A_127 = arith.cmpi slt, %rem3A_123, %lt3A_126 : i32
    %lt3A_128 = arith.constant 0 : i32
    %lt3A_129 = arith.cmpi slt, %select_n3A_122, %lt3A_128 : i32
    %ne3A_130 = arith.xori %lt3A_127, %lt3A_129 : i1
    %and3A_131 = arith.andi %ne3A_130, %ne3A_125 : i1
    %add3A_132 = arith.addi %rem3A_123, %select_n3A_122 : i32
    %select_n3A_133 = arith.select %and3A_131, %add3A_132, %rem3A_123 : i32
    %mul3A_134 = arith.constant 256 : i32
    %mul3A_135 = arith.muli %select_n3A_133, %mul3A_134 : i32
    %add3A_136 = arith.constant 0 : i32
    %add3A_137 = arith.addi %mul3A_135, %add3A_136 : i32
    %dma_start3A_138 = arith.constant 256 : i32
    %dma_start3A_139 = tpu.memref_slice %arg7[%dma_start3A_138] : memref<512xi32, #tpu.memory_space<vmem>> -> memref<128xi32, #tpu.memory_space<vmem>>
    %dma_start3A_140 = tpu.memref_slice %arg3[%select_n3A_117, %add3A_137] : memref<4x2048xi32, #tpu.memory_space<hbm>> -> memref<1x128xi32, #tpu.memory_space<hbm>>
    %dma_start3A_141 = tpu.memref_squeeze %dma_start3A_140 : memref<1x128xi32, #tpu.memory_space<hbm>> -> memref<128xi32, #tpu.memory_space<hbm>>
    %dma_start3A_142 = arith.constant 256 : i32
    %dma_start3A_143 = tpu.memref_slice %arg7[%dma_start3A_142] : memref<512xi32, #tpu.memory_space<vmem>> -> memref<128xi32, #tpu.memory_space<vmem>>
    %dma_start3A_144 = tpu.memref_slice %arg3[%select_n3A_117, %add3A_137] : memref<4x2048xi32, #tpu.memory_space<hbm>> -> memref<1x128xi32, #tpu.memory_space<hbm>>
    %dma_start3A_145 = tpu.memref_squeeze %dma_start3A_144 : memref<1x128xi32, #tpu.memory_space<hbm>> -> memref<128xi32, #tpu.memory_space<hbm>>
    tpu.enqueue_dma source(%dma_start3A_145 : memref<128xi32, #tpu.memory_space<hbm>>) target(%dma_start3A_143 : memref<128xi32, #tpu.memory_space<vmem>>) target_semaphore(%arg9 : memref<!tpu.dma_semaphore, #tpu.memory_space<semaphore_mem>>)
    %jit3A_146 = arith.constant 8 : i32
    %div3A_147 = arith.divsi %add3A, %jit3A_146 : i32
    %sign3A_148 = arith.constant 0 : i32
    %sign3A_149 = arith.cmpi sgt, %add3A, %sign3A_148 : i32
    %sign3A_150 = arith.extui %sign3A_149 : i1 to i32
    %sign3A_151 = arith.constant 0 : i32
    %sign3A_152 = arith.cmpi slt, %add3A, %sign3A_151 : i32
    %sign3A_153 = arith.extui %sign3A_152 : i1 to i32
    %sign3A_154 = arith.subi %sign3A_150, %sign3A_153 : i32
    %sign3A_155 = arith.constant 0 : i32
    %sign3A_156 = arith.cmpi sgt, %jit3A_146, %sign3A_155 : i32
    %sign3A_157 = arith.extui %sign3A_156 : i1 to i32
    %sign3A_158 = arith.constant 0 : i32
    %sign3A_159 = arith.cmpi slt, %jit3A_146, %sign3A_158 : i32
    %sign3A_160 = arith.extui %sign3A_159 : i1 to i32
    %sign3A_161 = arith.subi %sign3A_157, %sign3A_160 : i32
    %ne3A_162 = arith.cmpi ne, %sign3A_154, %sign3A_161 : i32
    %rem3A_163 = arith.remsi %add3A, %jit3A_146 : i32
    %ne3A_164 = arith.constant 0 : i32
    %ne3A_165 = arith.cmpi ne, %rem3A_163, %ne3A_164 : i32
    %and3A_166 = arith.andi %ne3A_162, %ne3A_165 : i1
    %sub3A_167 = arith.constant 1 : i32
    %sub3A_168 = arith.subi %div3A_147, %sub3A_167 : i32
    %select_n3A_169 = arith.select %and3A_166, %sub3A_168, %div3A_147 : i32
    %jit3A_170 = arith.constant 8 : i32
    %eq3A_171 = arith.constant 0 : i32
    %eq3A_172 = arith.cmpi eq, %jit3A_170, %eq3A_171 : i32
    %jit3A_173 = arith.constant 1 : i32
    %select_n3A_174 = arith.select %eq3A_172, %jit3A_173, %jit3A_170 : i32
    %rem3A_175 = arith.remsi %add3A, %select_n3A_174 : i32
    %ne3A_176 = arith.constant 0 : i32
    %ne3A_177 = arith.cmpi ne, %rem3A_175, %ne3A_176 : i32
    %lt3A_178 = arith.constant 0 : i32
    %lt3A_179 = arith.cmpi slt, %rem3A_175, %lt3A_178 : i32
    %lt3A_180 = arith.constant 0 : i32
    %lt3A_181 = arith.cmpi slt, %select_n3A_174, %lt3A_180 : i32
    %ne3A_182 = arith.xori %lt3A_179, %lt3A_181 : i1
    %and3A_183 = arith.andi %ne3A_182, %ne3A_177 : i1
    %add3A_184 = arith.addi %rem3A_175, %select_n3A_174 : i32
    %select_n3A_185 = arith.select %and3A_183, %add3A_184, %rem3A_175 : i32
    %mul3A_186 = arith.constant 256 : i32
    %mul3A_187 = arith.muli %select_n3A_185, %mul3A_186 : i32
    %add3A_188 = arith.constant 128 : i32
    %add3A_189 = arith.addi %mul3A_187, %add3A_188 : i32
    %dma_start3A_190 = arith.constant 384 : i32
    %dma_start3A_191 = tpu.memref_slice %arg7[%dma_start3A_190] : memref<512xi32, #tpu.memory_space<vmem>> -> memref<128xi32, #tpu.memory_space<vmem>>
    %dma_start3A_192 = tpu.memref_slice %arg3[%select_n3A_169, %add3A_189] : memref<4x2048xi32, #tpu.memory_space<hbm>> -> memref<1x128xi32, #tpu.memory_space<hbm>>
    %dma_start3A_193 = tpu.memref_squeeze %dma_start3A_192 : memref<1x128xi32, #tpu.memory_space<hbm>> -> memref<128xi32, #tpu.memory_space<hbm>>
    %dma_start3A_194 = arith.constant 384 : i32
    %dma_start3A_195 = tpu.memref_slice %arg7[%dma_start3A_194] : memref<512xi32, #tpu.memory_space<vmem>> -> memref<128xi32, #tpu.memory_space<vmem>>
    %dma_start3A_196 = tpu.memref_slice %arg3[%select_n3A_169, %add3A_189] : memref<4x2048xi32, #tpu.memory_space<hbm>> -> memref<1x128xi32, #tpu.memory_space<hbm>>
    %dma_start3A_197 = tpu.memref_squeeze %dma_start3A_196 : memref<1x128xi32, #tpu.memory_space<hbm>> -> memref<128xi32, #tpu.memory_space<hbm>>
    tpu.enqueue_dma source(%dma_start3A_197 : memref<128xi32, #tpu.memory_space<hbm>>) target(%dma_start3A_195 : memref<128xi32, #tpu.memory_space<vmem>>) target_semaphore(%arg9 : memref<!tpu.dma_semaphore, #tpu.memory_space<semaphore_mem>>)
    %dma_wait3A = arith.constant 0 : i32
    %dma_wait3A_198 = tpu.memref_slice %arg7[%dma_wait3A] : memref<512xi32, #tpu.memory_space<vmem>> -> memref<128xi32, #tpu.memory_space<vmem>>
    %dma_wait3A_199 = tpu.memref_slice %arg2[%select_n3A, %add3A_34] : memref<4x2048xi32, #tpu.memory_space<hbm>> -> memref<1x128xi32, #tpu.memory_space<hbm>>
    %dma_wait3A_200 = tpu.memref_squeeze %dma_wait3A_199 : memref<1x128xi32, #tpu.memory_space<hbm>> -> memref<128xi32, #tpu.memory_space<hbm>>
    %dma_wait3A_201 = arith.constant 0 : i32
    %dma_wait3A_202 = tpu.memref_slice %arg7[%dma_wait3A_201] : memref<512xi32, #tpu.memory_space<vmem>> -> memref<128xi32, #tpu.memory_space<vmem>>
    %dma_wait3A_203 = tpu.memref_slice %arg2[%select_n3A, %add3A_34] : memref<4x2048xi32, #tpu.memory_space<hbm>> -> memref<1x128xi32, #tpu.memory_space<hbm>>
    %dma_wait3A_204 = tpu.memref_squeeze %dma_wait3A_203 : memref<1x128xi32, #tpu.memory_space<hbm>> -> memref<128xi32, #tpu.memory_space<hbm>>
    tpu.wait_dma2 semaphore(%arg9 : memref<!tpu.dma_semaphore, #tpu.memory_space<semaphore_mem>>) src(%dma_wait3A_204 : memref<128xi32, #tpu.memory_space<hbm>>) dst(%dma_wait3A_202 : memref<128xi32, #tpu.memory_space<vmem>>)
    %dma_wait3A_205 = arith.constant 128 : i32
    %dma_wait3A_206 = tpu.memref_slice %arg7[%dma_wait3A_205] : memref<512xi32, #tpu.memory_space<vmem>> -> memref<128xi32, #tpu.memory_space<vmem>>
    %dma_wait3A_207 = tpu.memref_slice %arg2[%select_n3A_65, %add3A_85] : memref<4x2048xi32, #tpu.memory_space<hbm>> -> memref<1x128xi32, #tpu.memory_space<hbm>>
    %dma_wait3A_208 = tpu.memref_squeeze %dma_wait3A_207 : memref<1x128xi32, #tpu.memory_space<hbm>> -> memref<128xi32, #tpu.memory_space<hbm>>
    %dma_wait3A_209 = arith.constant 128 : i32
    %dma_wait3A_210 = tpu.memref_slice %arg7[%dma_wait3A_209] : memref<512xi32, #tpu.memory_space<vmem>> -> memref<128xi32, #tpu.memory_space<vmem>>
    %dma_wait3A_211 = tpu.memref_slice %arg2[%select_n3A_65, %add3A_85] : memref<4x2048xi32, #tpu.memory_space<hbm>> -> memref<1x128xi32, #tpu.memory_space<hbm>>
    %dma_wait3A_212 = tpu.memref_squeeze %dma_wait3A_211 : memref<1x128xi32, #tpu.memory_space<hbm>> -> memref<128xi32, #tpu.memory_space<hbm>>
    tpu.wait_dma2 semaphore(%arg9 : memref<!tpu.dma_semaphore, #tpu.memory_space<semaphore_mem>>) src(%dma_wait3A_212 : memref<128xi32, #tpu.memory_space<hbm>>) dst(%dma_wait3A_210 : memref<128xi32, #tpu.memory_space<vmem>>)
    %dma_wait3A_213 = arith.constant 256 : i32
    %dma_wait3A_214 = tpu.memref_slice %arg7[%dma_wait3A_213] : memref<512xi32, #tpu.memory_space<vmem>> -> memref<128xi32, #tpu.memory_space<vmem>>
    %dma_wait3A_215 = tpu.memref_slice %arg3[%select_n3A_117, %add3A_137] : memref<4x2048xi32, #tpu.memory_space<hbm>> -> memref<1x128xi32, #tpu.memory_space<hbm>>
    %dma_wait3A_216 = tpu.memref_squeeze %dma_wait3A_215 : memref<1x128xi32, #tpu.memory_space<hbm>> -> memref<128xi32, #tpu.memory_space<hbm>>
    %dma_wait3A_217 = arith.constant 256 : i32
    %dma_wait3A_218 = tpu.memref_slice %arg7[%dma_wait3A_217] : memref<512xi32, #tpu.memory_space<vmem>> -> memref<128xi32, #tpu.memory_space<vmem>>
    %dma_wait3A_219 = tpu.memref_slice %arg3[%select_n3A_117, %add3A_137] : memref<4x2048xi32, #tpu.memory_space<hbm>> -> memref<1x128xi32, #tpu.memory_space<hbm>>
    %dma_wait3A_220 = tpu.memref_squeeze %dma_wait3A_219 : memref<1x128xi32, #tpu.memory_space<hbm>> -> memref<128xi32, #tpu.memory_space<hbm>>
    tpu.wait_dma2 semaphore(%arg9 : memref<!tpu.dma_semaphore, #tpu.memory_space<semaphore_mem>>) src(%dma_wait3A_220 : memref<128xi32, #tpu.memory_space<hbm>>) dst(%dma_wait3A_218 : memref<128xi32, #tpu.memory_space<vmem>>)
    %dma_wait3A_221 = arith.constant 384 : i32
    %dma_wait3A_222 = tpu.memref_slice %arg7[%dma_wait3A_221] : memref<512xi32, #tpu.memory_space<vmem>> -> memref<128xi32, #tpu.memory_space<vmem>>
    %dma_wait3A_223 = tpu.memref_slice %arg3[%select_n3A_169, %add3A_189] : memref<4x2048xi32, #tpu.memory_space<hbm>> -> memref<1x128xi32, #tpu.memory_space<hbm>>
    %dma_wait3A_224 = tpu.memref_squeeze %dma_wait3A_223 : memref<1x128xi32, #tpu.memory_space<hbm>> -> memref<128xi32, #tpu.memory_space<hbm>>
    %dma_wait3A_225 = arith.constant 384 : i32
    %dma_wait3A_226 = tpu.memref_slice %arg7[%dma_wait3A_225] : memref<512xi32, #tpu.memory_space<vmem>> -> memref<128xi32, #tpu.memory_space<vmem>>
    %dma_wait3A_227 = tpu.memref_slice %arg3[%select_n3A_169, %add3A_189] : memref<4x2048xi32, #tpu.memory_space<hbm>> -> memref<1x128xi32, #tpu.memory_space<hbm>>
    %dma_wait3A_228 = tpu.memref_squeeze %dma_wait3A_227 : memref<1x128xi32, #tpu.memory_space<hbm>> -> memref<128xi32, #tpu.memory_space<hbm>>
    tpu.wait_dma2 semaphore(%arg9 : memref<!tpu.dma_semaphore, #tpu.memory_space<semaphore_mem>>) src(%dma_wait3A_228 : memref<128xi32, #tpu.memory_space<hbm>>) dst(%dma_wait3A_226 : memref<128xi32, #tpu.memory_space<vmem>>)
    %dma_start3A_229 = arith.constant 0 : i32
    %dma_start3A_230 = arith.constant 0 : i32
    %dma_start3A_231 = tpu.memref_slice %arg4[%dma_start3A_229, %dma_start3A_230] : memref<100000x128xf32, #tpu.memory_space<hbm>> -> memref<100000x128xf32, #tpu.memory_space<hbm>>
    tpu.enqueue_indirect_dma source(%dma_start3A_231 : memref<100000x128xf32, #tpu.memory_space<hbm>>) target(%arg8 : memref<512x128xf32, #tpu.memory_space<vmem>>) offsets(%arg7 : memref<512xi32, #tpu.memory_space<vmem>>) semaphore(%arg10 : memref<!tpu.dma_semaphore, #tpu.memory_space<semaphore_mem>>)
    %dma_wait3A_232 = arith.constant 0 : i32
    %dma_wait3A_233 = arith.constant 0 : i32
    %dma_wait3A_234 = tpu.memref_slice %arg4[%dma_wait3A_232, %dma_wait3A_233] : memref<100000x128xf32, #tpu.memory_space<hbm>> -> memref<100000x128xf32, #tpu.memory_space<hbm>>
    tpu.wait_indirect_dma semaphore(%arg10 : memref<!tpu.dma_semaphore, #tpu.memory_space<semaphore_mem>>) src(%dma_wait3A_234 : memref<100000x128xf32, #tpu.memory_space<hbm>>) dst(%arg8 : memref<512x128xf32, #tpu.memory_space<vmem>>)
    %mul3A_235 = arith.constant 256 : i32
    %mul3A_236 = arith.muli %add3A, %mul3A_235 : i32
    %add3A_237 = arith.constant 0 : i32
    %add3A_238 = arith.addi %mul3A_236, %add3A_237 : i32
    %jit3A_239 = arith.constant 2048 : i32
    %div3A_240 = arith.divsi %add3A_238, %jit3A_239 : i32
    %sign3A_241 = arith.constant 0 : i32
    %sign3A_242 = arith.cmpi sgt, %add3A_238, %sign3A_241 : i32
    %sign3A_243 = arith.extui %sign3A_242 : i1 to i32
    %sign3A_244 = arith.constant 0 : i32
    %sign3A_245 = arith.cmpi slt, %add3A_238, %sign3A_244 : i32
    %sign3A_246 = arith.extui %sign3A_245 : i1 to i32
    %sign3A_247 = arith.subi %sign3A_243, %sign3A_246 : i32
    %sign3A_248 = arith.constant 0 : i32
    %sign3A_249 = arith.cmpi sgt, %jit3A_239, %sign3A_248 : i32
    %sign3A_250 = arith.extui %sign3A_249 : i1 to i32
    %sign3A_251 = arith.constant 0 : i32
    %sign3A_252 = arith.cmpi slt, %jit3A_239, %sign3A_251 : i32
    %sign3A_253 = arith.extui %sign3A_252 : i1 to i32
    %sign3A_254 = arith.subi %sign3A_250, %sign3A_253 : i32
    %ne3A_255 = arith.cmpi ne, %sign3A_247, %sign3A_254 : i32
    %rem3A_256 = arith.remsi %add3A_238, %jit3A_239 : i32
    %ne3A_257 = arith.constant 0 : i32
    %ne3A_258 = arith.cmpi ne, %rem3A_256, %ne3A_257 : i32
    %and3A_259 = arith.andi %ne3A_255, %ne3A_258 : i1
    %sub3A_260 = arith.constant 1 : i32
    %sub3A_261 = arith.subi %div3A_240, %sub3A_260 : i32
    %select_n3A_262 = arith.select %and3A_259, %sub3A_261, %div3A_240 : i32
    %jit3A_263 = arith.constant 2048 : i32
    %eq3A_264 = arith.constant 0 : i32
    %eq3A_265 = arith.cmpi eq, %jit3A_263, %eq3A_264 : i32
    %jit3A_266 = arith.constant 1 : i32
    %select_n3A_267 = arith.select %eq3A_265, %jit3A_266, %jit3A_263 : i32
    %rem3A_268 = arith.remsi %add3A_238, %select_n3A_267 : i32
    %ne3A_269 = arith.constant 0 : i32
    %ne3A_270 = arith.cmpi ne, %rem3A_268, %ne3A_269 : i32
    %lt3A_271 = arith.constant 0 : i32
    %lt3A_272 = arith.cmpi slt, %rem3A_268, %lt3A_271 : i32
    %lt3A_273 = arith.constant 0 : i32
    %lt3A_274 = arith.cmpi slt, %select_n3A_267, %lt3A_273 : i32
    %ne3A_275 = arith.xori %lt3A_272, %lt3A_274 : i1
    %and3A_276 = arith.andi %ne3A_275, %ne3A_270 : i1
    %add3A_277 = arith.addi %rem3A_268, %select_n3A_267 : i32
    %select_n3A_278 = arith.select %and3A_276, %add3A_277, %rem3A_268 : i32
    %dma_start3A_279 = arith.constant 0 : i32
    %dma_start3A_280 = arith.constant 0 : i32
    %dma_start3A_281 = tpu.memref_slice %arg8[%dma_start3A_279, %dma_start3A_280] : memref<512x128xf32, #tpu.memory_space<vmem>> -> memref<128x128xf32, #tpu.memory_space<vmem>>
    %dma_start3A_282 = arith.constant 0 : i32
    %dma_start3A_283 = tpu.memref_slice %arg5[%select_n3A_262, %select_n3A_278, %dma_start3A_282] : memref<4x2048x128xf32, #tpu.memory_space<hbm>> -> memref<1x128x128xf32, #tpu.memory_space<hbm>>
    %dma_start3A_284 = tpu.memref_squeeze %dma_start3A_283 : memref<1x128x128xf32, #tpu.memory_space<hbm>> -> memref<128x128xf32, #tpu.memory_space<hbm>>
    %dma_start3A_285 = arith.constant 0 : i32
    %dma_start3A_286 = tpu.memref_slice %arg5[%select_n3A_262, %select_n3A_278, %dma_start3A_285] : memref<4x2048x128xf32, #tpu.memory_space<hbm>> -> memref<1x128x128xf32, #tpu.memory_space<hbm>>
    %dma_start3A_287 = tpu.memref_squeeze %dma_start3A_286 : memref<1x128x128xf32, #tpu.memory_space<hbm>> -> memref<128x128xf32, #tpu.memory_space<hbm>>
    %dma_start3A_288 = arith.constant 0 : i32
    %dma_start3A_289 = arith.constant 0 : i32
    %dma_start3A_290 = tpu.memref_slice %arg8[%dma_start3A_288, %dma_start3A_289] : memref<512x128xf32, #tpu.memory_space<vmem>> -> memref<128x128xf32, #tpu.memory_space<vmem>>
    tpu.enqueue_dma source(%dma_start3A_290 : memref<128x128xf32, #tpu.memory_space<vmem>>) target(%dma_start3A_287 : memref<128x128xf32, #tpu.memory_space<hbm>>) target_semaphore(%arg11 : memref<!tpu.dma_semaphore, #tpu.memory_space<semaphore_mem>>)
    %mul3A_291 = arith.constant 256 : i32
    %mul3A_292 = arith.muli %add3A, %mul3A_291 : i32
    %add3A_293 = arith.constant 128 : i32
    %add3A_294 = arith.addi %mul3A_292, %add3A_293 : i32
    %jit3A_295 = arith.constant 2048 : i32
    %div3A_296 = arith.divsi %add3A_294, %jit3A_295 : i32
    %sign3A_297 = arith.constant 0 : i32
    %sign3A_298 = arith.cmpi sgt, %add3A_294, %sign3A_297 : i32
    %sign3A_299 = arith.extui %sign3A_298 : i1 to i32
    %sign3A_300 = arith.constant 0 : i32
    %sign3A_301 = arith.cmpi slt, %add3A_294, %sign3A_300 : i32
    %sign3A_302 = arith.extui %sign3A_301 : i1 to i32
    %sign3A_303 = arith.subi %sign3A_299, %sign3A_302 : i32
    %sign3A_304 = arith.constant 0 : i32
    %sign3A_305 = arith.cmpi sgt, %jit3A_295, %sign3A_304 : i32
    %sign3A_306 = arith.extui %sign3A_305 : i1 to i32
    %sign3A_307 = arith.constant 0 : i32
    %sign3A_308 = arith.cmpi slt, %jit3A_295, %sign3A_307 : i32
    %sign3A_309 = arith.extui %sign3A_308 : i1 to i32
    %sign3A_310 = arith.subi %sign3A_306, %sign3A_309 : i32
    %ne3A_311 = arith.cmpi ne, %sign3A_303, %sign3A_310 : i32
    %rem3A_312 = arith.remsi %add3A_294, %jit3A_295 : i32
    %ne3A_313 = arith.constant 0 : i32
    %ne3A_314 = arith.cmpi ne, %rem3A_312, %ne3A_313 : i32
    %and3A_315 = arith.andi %ne3A_311, %ne3A_314 : i1
    %sub3A_316 = arith.constant 1 : i32
    %sub3A_317 = arith.subi %div3A_296, %sub3A_316 : i32
    %select_n3A_318 = arith.select %and3A_315, %sub3A_317, %div3A_296 : i32
    %jit3A_319 = arith.constant 2048 : i32
    %eq3A_320 = arith.constant 0 : i32
    %eq3A_321 = arith.cmpi eq, %jit3A_319, %eq3A_320 : i32
    %jit3A_322 = arith.constant 1 : i32
    %select_n3A_323 = arith.select %eq3A_321, %jit3A_322, %jit3A_319 : i32
    %rem3A_324 = arith.remsi %add3A_294, %select_n3A_323 : i32
    %ne3A_325 = arith.constant 0 : i32
    %ne3A_326 = arith.cmpi ne, %rem3A_324, %ne3A_325 : i32
    %lt3A_327 = arith.constant 0 : i32
    %lt3A_328 = arith.cmpi slt, %rem3A_324, %lt3A_327 : i32
    %lt3A_329 = arith.constant 0 : i32
    %lt3A_330 = arith.cmpi slt, %select_n3A_323, %lt3A_329 : i32
    %ne3A_331 = arith.xori %lt3A_328, %lt3A_330 : i1
    %and3A_332 = arith.andi %ne3A_331, %ne3A_326 : i1
    %add3A_333 = arith.addi %rem3A_324, %select_n3A_323 : i32
    %select_n3A_334 = arith.select %and3A_332, %add3A_333, %rem3A_324 : i32
    %dma_start3A_335 = arith.constant 128 : i32
    %dma_start3A_336 = arith.constant 0 : i32
    %dma_start3A_337 = tpu.memref_slice %arg8[%dma_start3A_335, %dma_start3A_336] : memref<512x128xf32, #tpu.memory_space<vmem>> -> memref<128x128xf32, #tpu.memory_space<vmem>>
    %dma_start3A_338 = arith.constant 0 : i32
    %dma_start3A_339 = tpu.memref_slice %arg5[%select_n3A_318, %select_n3A_334, %dma_start3A_338] : memref<4x2048x128xf32, #tpu.memory_space<hbm>> -> memref<1x128x128xf32, #tpu.memory_space<hbm>>
    %dma_start3A_340 = tpu.memref_squeeze %dma_start3A_339 : memref<1x128x128xf32, #tpu.memory_space<hbm>> -> memref<128x128xf32, #tpu.memory_space<hbm>>
    %dma_start3A_341 = arith.constant 0 : i32
    %dma_start3A_342 = tpu.memref_slice %arg5[%select_n3A_318, %select_n3A_334, %dma_start3A_341] : memref<4x2048x128xf32, #tpu.memory_space<hbm>> -> memref<1x128x128xf32, #tpu.memory_space<hbm>>
    %dma_start3A_343 = tpu.memref_squeeze %dma_start3A_342 : memref<1x128x128xf32, #tpu.memory_space<hbm>> -> memref<128x128xf32, #tpu.memory_space<hbm>>
    %dma_start3A_344 = arith.constant 128 : i32
    %dma_start3A_345 = arith.constant 0 : i32
    %dma_start3A_346 = tpu.memref_slice %arg8[%dma_start3A_344, %dma_start3A_345] : memref<512x128xf32, #tpu.memory_space<vmem>> -> memref<128x128xf32, #tpu.memory_space<vmem>>
    tpu.enqueue_dma source(%dma_start3A_346 : memref<128x128xf32, #tpu.memory_space<vmem>>) target(%dma_start3A_343 : memref<128x128xf32, #tpu.memory_space<hbm>>) target_semaphore(%arg11 : memref<!tpu.dma_semaphore, #tpu.memory_space<semaphore_mem>>)
    %mul3A_347 = arith.constant 256 : i32
    %mul3A_348 = arith.muli %add3A, %mul3A_347 : i32
    %add3A_349 = arith.constant 0 : i32
    %add3A_350 = arith.addi %mul3A_348, %add3A_349 : i32
    %jit3A_351 = arith.constant 2048 : i32
    %div3A_352 = arith.divsi %add3A_350, %jit3A_351 : i32
    %sign3A_353 = arith.constant 0 : i32
    %sign3A_354 = arith.cmpi sgt, %add3A_350, %sign3A_353 : i32
    %sign3A_355 = arith.extui %sign3A_354 : i1 to i32
    %sign3A_356 = arith.constant 0 : i32
    %sign3A_357 = arith.cmpi slt, %add3A_350, %sign3A_356 : i32
    %sign3A_358 = arith.extui %sign3A_357 : i1 to i32
    %sign3A_359 = arith.subi %sign3A_355, %sign3A_358 : i32
    %sign3A_360 = arith.constant 0 : i32
    %sign3A_361 = arith.cmpi sgt, %jit3A_351, %sign3A_360 : i32
    %sign3A_362 = arith.extui %sign3A_361 : i1 to i32
    %sign3A_363 = arith.constant 0 : i32
    %sign3A_364 = arith.cmpi slt, %jit3A_351, %sign3A_363 : i32
    %sign3A_365 = arith.extui %sign3A_364 : i1 to i32
    %sign3A_366 = arith.subi %sign3A_362, %sign3A_365 : i32
    %ne3A_367 = arith.cmpi ne, %sign3A_359, %sign3A_366 : i32
    %rem3A_368 = arith.remsi %add3A_350, %jit3A_351 : i32
    %ne3A_369 = arith.constant 0 : i32
    %ne3A_370 = arith.cmpi ne, %rem3A_368, %ne3A_369 : i32
    %and3A_371 = arith.andi %ne3A_367, %ne3A_370 : i1
    %sub3A_372 = arith.constant 1 : i32
    %sub3A_373 = arith.subi %div3A_352, %sub3A_372 : i32
    %select_n3A_374 = arith.select %and3A_371, %sub3A_373, %div3A_352 : i32
    %jit3A_375 = arith.constant 2048 : i32
    %eq3A_376 = arith.constant 0 : i32
    %eq3A_377 = arith.cmpi eq, %jit3A_375, %eq3A_376 : i32
    %jit3A_378 = arith.constant 1 : i32
    %select_n3A_379 = arith.select %eq3A_377, %jit3A_378, %jit3A_375 : i32
    %rem3A_380 = arith.remsi %add3A_350, %select_n3A_379 : i32
    %ne3A_381 = arith.constant 0 : i32
    %ne3A_382 = arith.cmpi ne, %rem3A_380, %ne3A_381 : i32
    %lt3A_383 = arith.constant 0 : i32
    %lt3A_384 = arith.cmpi slt, %rem3A_380, %lt3A_383 : i32
    %lt3A_385 = arith.constant 0 : i32
    %lt3A_386 = arith.cmpi slt, %select_n3A_379, %lt3A_385 : i32
    %ne3A_387 = arith.xori %lt3A_384, %lt3A_386 : i1
    %and3A_388 = arith.andi %ne3A_387, %ne3A_382 : i1
    %add3A_389 = arith.addi %rem3A_380, %select_n3A_379 : i32
    %select_n3A_390 = arith.select %and3A_388, %add3A_389, %rem3A_380 : i32
    %dma_start3A_391 = arith.constant 256 : i32
    %dma_start3A_392 = arith.constant 0 : i32
    %dma_start3A_393 = tpu.memref_slice %arg8[%dma_start3A_391, %dma_start3A_392] : memref<512x128xf32, #tpu.memory_space<vmem>> -> memref<128x128xf32, #tpu.memory_space<vmem>>
    %dma_start3A_394 = arith.constant 0 : i32
    %dma_start3A_395 = tpu.memref_slice %arg6[%select_n3A_374, %select_n3A_390, %dma_start3A_394] : memref<4x2048x128xf32, #tpu.memory_space<hbm>> -> memref<1x128x128xf32, #tpu.memory_space<hbm>>
    %dma_start3A_396 = tpu.memref_squeeze %dma_start3A_395 : memref<1x128x128xf32, #tpu.memory_space<hbm>> -> memref<128x128xf32, #tpu.memory_space<hbm>>
    %dma_start3A_397 = arith.constant 0 : i32
    %dma_start3A_398 = tpu.memref_slice %arg6[%select_n3A_374, %select_n3A_390, %dma_start3A_397] : memref<4x2048x128xf32, #tpu.memory_space<hbm>> -> memref<1x128x128xf32, #tpu.memory_space<hbm>>
    %dma_start3A_399 = tpu.memref_squeeze %dma_start3A_398 : memref<1x128x128xf32, #tpu.memory_space<hbm>> -> memref<128x128xf32, #tpu.memory_space<hbm>>
    %dma_start3A_400 = arith.constant 256 : i32
    %dma_start3A_401 = arith.constant 0 : i32
    %dma_start3A_402 = tpu.memref_slice %arg8[%dma_start3A_400, %dma_start3A_401] : memref<512x128xf32, #tpu.memory_space<vmem>> -> memref<128x128xf32, #tpu.memory_space<vmem>>
    tpu.enqueue_dma source(%dma_start3A_402 : memref<128x128xf32, #tpu.memory_space<vmem>>) target(%dma_start3A_399 : memref<128x128xf32, #tpu.memory_space<hbm>>) target_semaphore(%arg11 : memref<!tpu.dma_semaphore, #tpu.memory_space<semaphore_mem>>)
    %mul3A_403 = arith.constant 256 : i32
    %mul3A_404 = arith.muli %add3A, %mul3A_403 : i32
    %add3A_405 = arith.constant 128 : i32
    %add3A_406 = arith.addi %mul3A_404, %add3A_405 : i32
    %jit3A_407 = arith.constant 2048 : i32
    %div3A_408 = arith.divsi %add3A_406, %jit3A_407 : i32
    %sign3A_409 = arith.constant 0 : i32
    %sign3A_410 = arith.cmpi sgt, %add3A_406, %sign3A_409 : i32
    %sign3A_411 = arith.extui %sign3A_410 : i1 to i32
    %sign3A_412 = arith.constant 0 : i32
    %sign3A_413 = arith.cmpi slt, %add3A_406, %sign3A_412 : i32
    %sign3A_414 = arith.extui %sign3A_413 : i1 to i32
    %sign3A_415 = arith.subi %sign3A_411, %sign3A_414 : i32
    %sign3A_416 = arith.constant 0 : i32
    %sign3A_417 = arith.cmpi sgt, %jit3A_407, %sign3A_416 : i32
    %sign3A_418 = arith.extui %sign3A_417 : i1 to i32
    %sign3A_419 = arith.constant 0 : i32
    %sign3A_420 = arith.cmpi slt, %jit3A_407, %sign3A_419 : i32
    %sign3A_421 = arith.extui %sign3A_420 : i1 to i32
    %sign3A_422 = arith.subi %sign3A_418, %sign3A_421 : i32
    %ne3A_423 = arith.cmpi ne, %sign3A_415, %sign3A_422 : i32
    %rem3A_424 = arith.remsi %add3A_406, %jit3A_407 : i32
    %ne3A_425 = arith.constant 0 : i32
    %ne3A_426 = arith.cmpi ne, %rem3A_424, %ne3A_425 : i32
    %and3A_427 = arith.andi %ne3A_423, %ne3A_426 : i1
    %sub3A_428 = arith.constant 1 : i32
    %sub3A_429 = arith.subi %div3A_408, %sub3A_428 : i32
    %select_n3A_430 = arith.select %and3A_427, %sub3A_429, %div3A_408 : i32
    %jit3A_431 = arith.constant 2048 : i32
    %eq3A_432 = arith.constant 0 : i32
    %eq3A_433 = arith.cmpi eq, %jit3A_431, %eq3A_432 : i32
    %jit3A_434 = arith.constant 1 : i32
    %select_n3A_435 = arith.select %eq3A_433, %jit3A_434, %jit3A_431 : i32
    %rem3A_436 = arith.remsi %add3A_406, %select_n3A_435 : i32
    %ne3A_437 = arith.constant 0 : i32
    %ne3A_438 = arith.cmpi ne, %rem3A_436, %ne3A_437 : i32
    %lt3A_439 = arith.constant 0 : i32
    %lt3A_440 = arith.cmpi slt, %rem3A_436, %lt3A_439 : i32
    %lt3A_441 = arith.constant 0 : i32
    %lt3A_442 = arith.cmpi slt, %select_n3A_435, %lt3A_441 : i32
    %ne3A_443 = arith.xori %lt3A_440, %lt3A_442 : i1
    %and3A_444 = arith.andi %ne3A_443, %ne3A_438 : i1
    %add3A_445 = arith.addi %rem3A_436, %select_n3A_435 : i32
    %select_n3A_446 = arith.select %and3A_444, %add3A_445, %rem3A_436 : i32
    %dma_start3A_447 = arith.constant 384 : i32
    %dma_start3A_448 = arith.constant 0 : i32
    %dma_start3A_449 = tpu.memref_slice %arg8[%dma_start3A_447, %dma_start3A_448] : memref<512x128xf32, #tpu.memory_space<vmem>> -> memref<128x128xf32, #tpu.memory_space<vmem>>
    %dma_start3A_450 = arith.constant 0 : i32
    %dma_start3A_451 = tpu.memref_slice %arg6[%select_n3A_430, %select_n3A_446, %dma_start3A_450] : memref<4x2048x128xf32, #tpu.memory_space<hbm>> -> memref<1x128x128xf32, #tpu.memory_space<hbm>>
    %dma_start3A_452 = tpu.memref_squeeze %dma_start3A_451 : memref<1x128x128xf32, #tpu.memory_space<hbm>> -> memref<128x128xf32, #tpu.memory_space<hbm>>
    %dma_start3A_453 = arith.constant 0 : i32
    %dma_start3A_454 = tpu.memref_slice %arg6[%select_n3A_430, %select_n3A_446, %dma_start3A_453] : memref<4x2048x128xf32, #tpu.memory_space<hbm>> -> memref<1x128x128xf32, #tpu.memory_space<hbm>>
    %dma_start3A_455 = tpu.memref_squeeze %dma_start3A_454 : memref<1x128x128xf32, #tpu.memory_space<hbm>> -> memref<128x128xf32, #tpu.memory_space<hbm>>
    %dma_start3A_456 = arith.constant 384 : i32
    %dma_start3A_457 = arith.constant 0 : i32
    %dma_start3A_458 = tpu.memref_slice %arg8[%dma_start3A_456, %dma_start3A_457] : memref<512x128xf32, #tpu.memory_space<vmem>> -> memref<128x128xf32, #tpu.memory_space<vmem>>
    tpu.enqueue_dma source(%dma_start3A_458 : memref<128x128xf32, #tpu.memory_space<vmem>>) target(%dma_start3A_455 : memref<128x128xf32, #tpu.memory_space<hbm>>) target_semaphore(%arg11 : memref<!tpu.dma_semaphore, #tpu.memory_space<semaphore_mem>>)
    %dma_wait3A_459 = arith.constant 0 : i32
    %dma_wait3A_460 = arith.constant 0 : i32
    %dma_wait3A_461 = tpu.memref_slice %arg8[%dma_wait3A_459, %dma_wait3A_460] : memref<512x128xf32, #tpu.memory_space<vmem>> -> memref<128x128xf32, #tpu.memory_space<vmem>>
    %dma_wait3A_462 = arith.constant 0 : i32
    %dma_wait3A_463 = tpu.memref_slice %arg5[%select_n3A_262, %select_n3A_278, %dma_wait3A_462] : memref<4x2048x128xf32, #tpu.memory_space<hbm>> -> memref<1x128x128xf32, #tpu.memory_space<hbm>>
    %dma_wait3A_464 = tpu.memref_squeeze %dma_wait3A_463 : memref<1x128x128xf32, #tpu.memory_space<hbm>> -> memref<128x128xf32, #tpu.memory_space<hbm>>
    %dma_wait3A_465 = arith.constant 0 : i32
    %dma_wait3A_466 = tpu.memref_slice %arg5[%select_n3A_262, %select_n3A_278, %dma_wait3A_465] : memref<4x2048x128xf32, #tpu.memory_space<hbm>> -> memref<1x128x128xf32, #tpu.memory_space<hbm>>
    %dma_wait3A_467 = tpu.memref_squeeze %dma_wait3A_466 : memref<1x128x128xf32, #tpu.memory_space<hbm>> -> memref<128x128xf32, #tpu.memory_space<hbm>>
    %dma_wait3A_468 = arith.constant 0 : i32
    %dma_wait3A_469 = arith.constant 0 : i32
    %dma_wait3A_470 = tpu.memref_slice %arg8[%dma_wait3A_468, %dma_wait3A_469] : memref<512x128xf32, #tpu.memory_space<vmem>> -> memref<128x128xf32, #tpu.memory_space<vmem>>
    tpu.wait_dma2 semaphore(%arg11 : memref<!tpu.dma_semaphore, #tpu.memory_space<semaphore_mem>>) src(%dma_wait3A_470 : memref<128x128xf32, #tpu.memory_space<vmem>>) dst(%dma_wait3A_467 : memref<128x128xf32, #tpu.memory_space<hbm>>)
    %dma_wait3A_471 = arith.constant 128 : i32
    %dma_wait3A_472 = arith.constant 0 : i32
    %dma_wait3A_473 = tpu.memref_slice %arg8[%dma_wait3A_471, %dma_wait3A_472] : memref<512x128xf32, #tpu.memory_space<vmem>> -> memref<128x128xf32, #tpu.memory_space<vmem>>
    %dma_wait3A_474 = arith.constant 0 : i32
    %dma_wait3A_475 = tpu.memref_slice %arg5[%select_n3A_318, %select_n3A_334, %dma_wait3A_474] : memref<4x2048x128xf32, #tpu.memory_space<hbm>> -> memref<1x128x128xf32, #tpu.memory_space<hbm>>
    %dma_wait3A_476 = tpu.memref_squeeze %dma_wait3A_475 : memref<1x128x128xf32, #tpu.memory_space<hbm>> -> memref<128x128xf32, #tpu.memory_space<hbm>>
    %dma_wait3A_477 = arith.constant 0 : i32
    %dma_wait3A_478 = tpu.memref_slice %arg5[%select_n3A_318, %select_n3A_334, %dma_wait3A_477] : memref<4x2048x128xf32, #tpu.memory_space<hbm>> -> memref<1x128x128xf32, #tpu.memory_space<hbm>>
    %dma_wait3A_479 = tpu.memref_squeeze %dma_wait3A_478 : memref<1x128x128xf32, #tpu.memory_space<hbm>> -> memref<128x128xf32, #tpu.memory_space<hbm>>
    %dma_wait3A_480 = arith.constant 128 : i32
    %dma_wait3A_481 = arith.constant 0 : i32
    %dma_wait3A_482 = tpu.memref_slice %arg8[%dma_wait3A_480, %dma_wait3A_481] : memref<512x128xf32, #tpu.memory_space<vmem>> -> memref<128x128xf32, #tpu.memory_space<vmem>>
    tpu.wait_dma2 semaphore(%arg11 : memref<!tpu.dma_semaphore, #tpu.memory_space<semaphore_mem>>) src(%dma_wait3A_482 : memref<128x128xf32, #tpu.memory_space<vmem>>) dst(%dma_wait3A_479 : memref<128x128xf32, #tpu.memory_space<hbm>>)
    %dma_wait3A_483 = arith.constant 256 : i32
    %dma_wait3A_484 = arith.constant 0 : i32
    %dma_wait3A_485 = tpu.memref_slice %arg8[%dma_wait3A_483, %dma_wait3A_484] : memref<512x128xf32, #tpu.memory_space<vmem>> -> memref<128x128xf32, #tpu.memory_space<vmem>>
    %dma_wait3A_486 = arith.constant 0 : i32
    %dma_wait3A_487 = tpu.memref_slice %arg6[%select_n3A_374, %select_n3A_390, %dma_wait3A_486] : memref<4x2048x128xf32, #tpu.memory_space<hbm>> -> memref<1x128x128xf32, #tpu.memory_space<hbm>>
    %dma_wait3A_488 = tpu.memref_squeeze %dma_wait3A_487 : memref<1x128x128xf32, #tpu.memory_space<hbm>> -> memref<128x128xf32, #tpu.memory_space<hbm>>
    %dma_wait3A_489 = arith.constant 0 : i32
    %dma_wait3A_490 = tpu.memref_slice %arg6[%select_n3A_374, %select_n3A_390, %dma_wait3A_489] : memref<4x2048x128xf32, #tpu.memory_space<hbm>> -> memref<1x128x128xf32, #tpu.memory_space<hbm>>
    %dma_wait3A_491 = tpu.memref_squeeze %dma_wait3A_490 : memref<1x128x128xf32, #tpu.memory_space<hbm>> -> memref<128x128xf32, #tpu.memory_space<hbm>>
    %dma_wait3A_492 = arith.constant 256 : i32
    %dma_wait3A_493 = arith.constant 0 : i32
    %dma_wait3A_494 = tpu.memref_slice %arg8[%dma_wait3A_492, %dma_wait3A_493] : memref<512x128xf32, #tpu.memory_space<vmem>> -> memref<128x128xf32, #tpu.memory_space<vmem>>
    tpu.wait_dma2 semaphore(%arg11 : memref<!tpu.dma_semaphore, #tpu.memory_space<semaphore_mem>>) src(%dma_wait3A_494 : memref<128x128xf32, #tpu.memory_space<vmem>>) dst(%dma_wait3A_491 : memref<128x128xf32, #tpu.memory_space<hbm>>)
    %dma_wait3A_495 = arith.constant 384 : i32
    %dma_wait3A_496 = arith.constant 0 : i32
    %dma_wait3A_497 = tpu.memref_slice %arg8[%dma_wait3A_495, %dma_wait3A_496] : memref<512x128xf32, #tpu.memory_space<vmem>> -> memref<128x128xf32, #tpu.memory_space<vmem>>
    %dma_wait3A_498 = arith.constant 0 : i32
    %dma_wait3A_499 = tpu.memref_slice %arg6[%select_n3A_430, %select_n3A_446, %dma_wait3A_498] : memref<4x2048x128xf32, #tpu.memory_space<hbm>> -> memref<1x128x128xf32, #tpu.memory_space<hbm>>
    %dma_wait3A_500 = tpu.memref_squeeze %dma_wait3A_499 : memref<1x128x128xf32, #tpu.memory_space<hbm>> -> memref<128x128xf32, #tpu.memory_space<hbm>>
    %dma_wait3A_501 = arith.constant 0 : i32
    %dma_wait3A_502 = tpu.memref_slice %arg6[%select_n3A_430, %select_n3A_446, %dma_wait3A_501] : memref<4x2048x128xf32, #tpu.memory_space<hbm>> -> memref<1x128x128xf32, #tpu.memory_space<hbm>>
    %dma_wait3A_503 = tpu.memref_squeeze %dma_wait3A_502 : memref<1x128x128xf32, #tpu.memory_space<hbm>> -> memref<128x128xf32, #tpu.memory_space<hbm>>
    %dma_wait3A_504 = arith.constant 384 : i32
    %dma_wait3A_505 = arith.constant 0 : i32
    %dma_wait3A_506 = tpu.memref_slice %arg8[%dma_wait3A_504, %dma_wait3A_505] : memref<512x128xf32, #tpu.memory_space<vmem>> -> memref<128x128xf32, #tpu.memory_space<vmem>>
    tpu.wait_dma2 semaphore(%arg11 : memref<!tpu.dma_semaphore, #tpu.memory_space<semaphore_mem>>) src(%dma_wait3A_506 : memref<128x128xf32, #tpu.memory_space<vmem>>) dst(%dma_wait3A_503 : memref<128x128xf32, #tpu.memory_space<hbm>>)
    return
  }
}

</mosaic_0001>

<sc_bundles>
// kernel: kernel.3.cloned.1.call-start
scs
__scs_entry_jumppad:
0x0: {  	(pc) =	sbr.rel $0x88, $3  }
0x1: {  	(tag) =	ssettag $0x0;
	lr =	simm.s32 $0x1  }
0x2: {  	[smem:$0x3F9E] =	sst lr;
	_ =	strace $0xD0000000  }
0x3: {  	_ = 	snop  }
0x4: {  	_ = 	snop  }
0x5: {  	_ = 	snop  }
0x6: {  	_ = 	snop  }
0x7: {  	_ = 	snop  }
__scs_overlays_trampoline_lowered:
0x8: {  	[smem:$0x3FAD] =	sst s0  }
0x9: {  	[smem:$0x3FAE] =	sst s1  }
0xa: {  	[smem:$0x3FAF] =	sst s2  }
0xb: {  	[smem:$0x3FB0] =	sst s3  }
0xc: {  	[smem:$0x3FB1] =	sst s4  }
0xd: {  	[smem:$0x3FB2] =	sst s5  }
0xe: {  	[smem:$0x3FB3] =	sst s6  }
0xf: {  	[smem:$0x3FB4] =	sst s7  }
0x10: {  	[smem:$0x3FB5] =	sst s8  }
0x11: {  	[smem:$0x3FB6] =	sst s9;
	s0 =	simm.s32 @!p0 $0x0  }
0x12: {  	s1 =	sld [smem:$0x3F9C];
	s0 =	simm.s32 @p0 $0x1  }
0x13: {  	[smem:$0x3FB7] =	sst s0;
	s0 =	simm.s32 @!p1 $0x0  }
0x14: {  	s2 =	sld [smem:$0x3F9B];
	s0 =	simm.s32 @p1 $0x1  }
0x15: {  	[smem:$0x3FB8] =	sst s0;
	s0 =	simm.s32 @!p2 $0x0  }
0x16: {  	s3 =	sld [smem:$0x3FDB];
	s0 =	simm.s32 @p2 $0x1  }
0x17: {  	s4 =	simm.s32 $0x1BF5;
	[smem:$0x3FBA] =	sst s0  }
0x18: {  	s0 =	sld [smem:$0x3F9D];
	_ =	swait.ge [sflag:s4], $0x0  }
0x19: {  	s7 =	sld [smem:$0x3F9E]  }
0x1a: {  	s8 =	sadd.s32 $0xFFFFE003, lr  }
0x1b: {  	s9 =	sadd.s32 $0xFFFFFEF7, lr;
	s5 =	simm.s32 $0xFFFFFFFF;
	p2 =	slt.u32 s8, $0xFFFFF086  }
0x1c: {  	p1 =	slt.u32 s9, $0xF7A;
	s5 =	simm.s32 @!p2 $0x0  }
0x1d: {  	s5 =	simm.s32 @p1 $0x1;
	p0 =	seq.s32 s7, s2  }
0x1e: {  	s7 =	smul.u32 @!p0 $0xF7A, s2;
	p2 =	seq.s32 @!p0 s5, $0x0  }
0x1f: {  	s9 =	smul.u32 $0xF7A, s1;
	s8 =	simm.s32 @!p0 $0x1BF5;
	p2 =	por !p2, p0  }
0x20: {  	[sflag:s8] =	ssyncset.s32 @!p0 $0xFFFFF086;
	s6 =	sadd.s32 @!p0 s3, s7;
	s7 =	simm.s32 @!p0 $0x108  }
0x21: {  	s3 =	sadd.s32 s3, s9;
	s6 =	sadd.s32 @!p0 $0x88, s6;
	s7 =	simm.s32 @p2 $0x1082  }
0x22: {  	[simem:s7], [sflag:s8] =	dma.local @!p0 [hbm:s6], $0xF7A  }
0x23: {  	s9 =	sor.u32 $0xD0000000, s2;
	s6 =	simm.s32 $0x108;
	_ =	swait.ge @!p0 [sflag:s8], $0x0  }
0x24: {  	s3 =	sadd.s32 $0x88, s3;
	s6 =	simm.s32 @!p1 $0x1082;
	[sflag:s4] =	ssyncset.s32 $0xFFFFF086  }
0x25: {  	[simem:s6], [sflag:s4] =	dma.local [hbm:s3], $0xF7A  }
0x26: {  	[smem:$0x3F9E] =	sst s1;
	(tag) =	ssettag s2;
	_ =	strace s9  }
0x27: {  	s1 =	sld [smem:$0x3FAE]  }
0x28: {  	s2 =	sld [smem:$0x3FAF]  }
0x29: {  	s4 =	sld [smem:$0x3FB1]  }
0x2a: {  	p0 =	seq.s32 s5, $0x0;
	s5 =	sld [smem:$0x3FB2]  }
0x2b: {  	s6 =	sld [smem:$0x3FB3]  }
0x2c: {  	s7 =	sld [smem:$0x3FB4]  }
0x2d: {  	s3 =	simm.s32 $0x108;
	s8 =	sld [smem:$0x3FB5]  }
0x2e: {  	s3 =	simm.s32 @!p0 $0x1082;
	s9 =	sld [smem:$0x3FB6]  }
0x2f: {  	lr =	sadd.s32 s0, s3;
	s0 =	sld [smem:$0x3FAD]  }
0x30: {  	s3 =	sld [smem:$0x3FB0]  }
0x31: {  	[smem:$0x3FB9] =	sst s10  }
0x32: {  	s10 =	sld [smem:$0x3FB7];
	_ =	sdelay $0x3  }
0x33: {  	p0 =	seq.s32 s10, $0x1;
	s10 =	sld [smem:$0x3FB9];
	_ =	sdelay $0x3  }
0x34: {  	[smem:$0x3FB9] =	sst s10  }
0x35: {  	s10 =	sld [smem:$0x3FB8];
	_ =	sdelay $0x3  }
0x36: {  	p1 =	seq.s32 s10, $0x1;
	s10 =	sld [smem:$0x3FB9];
	_ =	sdelay $0x3  }
0x37: {  	[smem:$0x3FB9] =	sst s10  }
0x38: {  	s10 =	sld [smem:$0x3FBA]  }
0x39: {  	_ = 	snop;
	(pc) =	sbr.ind lr, $3  }
0x3a: {  	_ = 	snop  }
0x3b: {  	_ = 	snop  }
0x3c: {  	p2 =	seq.s32 s10, $0x1;
	s10 =	sld [smem:$0x3FB9]  }
0x3d: {  	_ =	shalt  }
0x3e: {  	_ =	shalt  }
0x3f: {  	_ =	shalt  }
0x40: {  	_ =	shalt  }
0x41: {  	_ =	shalt  }
0x42: {  	_ =	shalt  }
0x43: {  	_ =	shalt  }
0x44: {  	_ =	shalt  }
0x45: {  	_ =	shalt  }
0x46: {  	_ =	shalt  }
0x47: {  	_ =	shalt  }
0x48: {  	_ =	shalt  }
0x49: {  	_ =	shalt  }
0x4a: {  	_ =	shalt  }
0x4b: {  	_ =	shalt  }
0x4c: {  	_ =	shalt  }
0x4d: {  	_ =	shalt  }
0x4e: {  	_ =	shalt  }
0x4f: {  	_ =	shalt  }
0x50: {  	_ =	shalt  }
0x51: {  	_ =	shalt  }
0x52: {  	_ =	shalt  }
0x53: {  	_ =	shalt  }
0x54: {  	_ =	shalt  }
0x55: {  	_ =	shalt  }
0x56: {  	_ =	shalt  }
0x57: {  	_ =	shalt  }
0x58: {  	_ =	shalt  }
0x59: {  	_ =	shalt  }
0x5a: {  	_ =	shalt  }
0x5b: {  	_ =	shalt  }
0x5c: {  	_ =	shalt  }
0x5d: {  	_ =	shalt  }
0x5e: {  	_ =	shalt  }
0x5f: {  	_ =	shalt  }
0x60: {  	_ =	shalt  }
0x61: {  	_ =	shalt  }
0x62: {  	_ =	shalt  }
0x63: {  	_ =	shalt  }
0x64: {  	_ =	shalt  }
0x65: {  	_ =	shalt  }
0x66: {  	_ =	shalt  }
0x67: {  	_ =	shalt  }
0x68: {  	_ =	shalt  }
0x69: {  	_ =	shalt  }
0x6a: {  	_ =	shalt  }
0x6b: {  	_ =	shalt  }
0x6c: {  	_ =	shalt  }
0x6d: {  	_ =	shalt  }
0x6e: {  	_ =	shalt  }
0x6f: {  	_ =	shalt  }
0x70: {  	_ =	shalt  }
0x71: {  	_ =	shalt  }
0x72: {  	_ =	shalt  }
0x73: {  	_ =	shalt  }
0x74: {  	_ =	shalt  }
0x75: {  	_ =	shalt  }
0x76: {  	_ =	shalt  }
0x77: {  	_ =	shalt  }
0x78: {  	_ =	shalt  }
0x79: {  	_ =	shalt  }
0x7a: {  	_ =	shalt  }
0x7b: {  	_ =	shalt  }
0x7c: {  	_ =	shalt  }
0x7d: {  	_ =	shalt  }
0x7e: {  	_ =	shalt  }
0x7f: {  	_ =	shalt  }
0x80: {  	_ =	shalt  }
0x81: {  	_ =	shalt  }
0x82: {  	_ =	shalt  }
0x83: {  	_ =	shalt  }
0x84: {  	_ =	shalt  }
0x85: {  	_ =	shalt  }
0x86: {  	_ =	shalt  }
0x87: {  	_ =	shalt  }
.Lfunc_end0:
.L_simem_size_0:
called_computation_lowered:
.L_overlay_start_0:
0x88: {  	s2 =	sld [smem:$0x3FD9]  }
0x89: {  	s3 =	sld [smem:$0x3FFE];
	_ =	sdelay $0x1  }
0x8a: {  	s1 =	srdreg.scid  }
0x8b: {  	s0 =	sand.u32 $0x1, s1  }
0x8c: {  	s15 =	sshll.u32 s0, $0xA;
	s2 =	sadd.s32 s3, s2  }
0x8d: {  	s2 =	sadd.s32 s2, s15  }
0x8e: {  	[smem:$0x3FC5] =	sst s2  }
0x8f: {  	_ = 	snop  }
0x90: {  	s2 =	sld [smem:$0x3FD0]  }
0x91: {  	s16 =	sld [smem:$0x3FC9]  }
0x92: {  	s4 =	sld [smem:$0x3FC8]  }
0x93: {  	s6 =	simm.s32 $0xA;
	s7 =	simm.s32 $0x10;
	s5 =	sld [smem:$0x3FC7]  }
0x94: {  	[smem:s7], [sflag:s6] =	dma.local [hbm:s2], $0x1  }
0x95: {  	_ =	swait.eq [sflag:s6], $0x1  }
0x96: {  	[sflag:s6] =	ssyncset.done $0x0  }
0x97: {  	s17 =	sld [smem:$0x10];
	[sflag:s6] =	ssyncadd.s32 $0xFFFFFFFF  }
0x98: {  	s18 =	sld [smem:$0x11];
	(tm) =	ssettm $0x1  }
0x99: {  	s19 =	sld [smem:$0x3FFB];
	_ =	sdelay $0x3  }
0x9a: {  	_ =	strace s19  }
0x9b: {  	s7 =	sld [smem:$0x3FFC];
	_ =	sdelay $0x3  }
0x9c: {  	_ =	strace s7  }
0x9d: {  	s7 =	sld [smem:$0x3FFD];
	_ =	sdelay $0x3  }
0x9e: {  	_ =	strace s7  }
0x9f: {  	_ =	strace $0x8FFFFFFF  }
0xa0: {  	s20 =	sld [smem:$0x3FDB];
	_ =	sdelay $0x1  }
0xa1: {  	s8 =	simm.s32 $_scs_section_size  }
0xa2: {  	s9 =	simm.s32 $_size__tile_overlayer_lowered;
	s10 =	simm.s32 $_tile_overlayer_lowered  }
0xa3: {  	s23 =	simm.s32 $0x1BFF;
	s22 =	sshll.u32 s10, $0x1;
	s7 =	sadd.s32 s8, s20  }
0xa4: {  	s11 =	simm.s32 $0x0;
	s21 =	sshll.u32 s9, $0x1;
	s9 =	sadd.s32 s22, s7  }
0xa5: {  	[timem:s11], [sflag:s23] =	dma.local [hbm:s9], s21  }
0xa6: {  	_ =	swait.ge [sflag:s23], s21  }
0xa7: {  	s8 =	ssub.s32 $0x0, s21;
	[sflag:s23] =	ssyncset.done $0x0  }
0xa8: {  	[sflag:s23] =	ssyncadd.s32 s8;
	_ =	sdelay $0x1  }
0xa9: {  	s24 =	simm.s32 $0x1B8B  }
0xaa: {  	_ =	swait.ge [sflag:s24], $0x1  }
0xab: {  	[sflag:s24] =	ssyncset.done $0x0  }
0xac: {  	s25 =	simm.s32 $0x1B8E;
	[sflag:s24] =	ssyncadd.s32 $0xFFFFFFFF  }
0xad: {  	s26 =	simm.s32 $execute0_lowered;
	[smem:$0x3FD2] =	sst s25  }
0xae: {  	s8 =	sshll.u32 s26, $0x1;
	_ =	strace $0x80000046;
	[dreg:$0x1] =	wrdreg $0xFFFFFFFF  }
0xaf: {  	s28 =	simm.s32 $_size_execute0_lowered;
	s7 =	sadd.s32 s7, s8;
	[dreg:$0x0] =	wrdreg $0x0  }
0xb0: {  	s8 =	sshll.u32 s28, $0x1;
	[dreg:$0x2] =	wrdreg s7  }
0xb1: {  	[dreg:$0x3] =	wrdreg s8  }
0xb2: {  	[dreg:$0x4] =	wrdreg $0xC0  }
0xb3: {  	_ =	task [dreg:s11], $0x5FFFF  }
0xb4: {  	[dreg:$0x1] =	wrdreg $0xFFFFFFFF  }
0xb5: {  	[dreg:$0x0] =	wrdreg $0x60  }
0xb6: {  	[dreg:$0x2] =	wrdreg s16  }
0xb7: {  	[dreg:$0x3] =	wrdreg s4  }
0xb8: {  	[dreg:$0x4] =	wrdreg s5  }
0xb9: {  	[dreg:$0x5] =	wrdreg s17  }
0xba: {  	[dreg:$0x6] =	wrdreg s18  }
0xbb: {  	[dreg:$0x7] =	wrdreg $0x9  }
0xbc: {  	_ =	task.clear_ibuf [dreg:s11], $0x8FFFF;
	_ =	strace $0x90000046  }
0xbd: {  	s29 =	simm.s32 $0x9;
	_ =	strace $0x80000048  }
0xbe: {  	_ =	swait.ge [sflag:s29], $0x1  }
0xbf: {  	[sflag:s29] =	ssyncadd.s32 $0xFFFFFFFF  }
0xc0: {  	_ =	strace $0x90000048  }
0xc1: {  	_ =	sfence  }
0xc2: {  	s30 =	sld [smem:$0x0];
	_ =	sdelay $0x2  }
0xc3: {  	s31 =	sshll.u32 s1, $0xD;
	s1 =	sshrl.u32 s1, $0x2  }
0xc4: {  	s3 =	sand.u32 $0x4000, s31;
	s1 =	sadd.s32 s1, s30  }
0xc5: {  	s0 =	sor.u32 s3, s0;
	s1 =	sshll.u32 s1, $0x11  }
0xc6: {  	s0 =	sor.u32 s1, s0  }
0xc7: {  	s0 =	sadd.s32 $0x8F2B, s0  }
0xc8: {  	[sflag:s0] =	ssyncadd.remote.s32 $0x1  }
0xc9: {  	_ =	sfence.sel $0xFFFF  }
0xca: {  	[dreg:$0x0] =	wrdreg $0xFFFFFFFF;
	(pc) =	sbr.abs _section_cstart, $3  }
0xcb: {  	[dreg:$0x1] =	wrdreg $0xFFFFFFFF  }
0xcc: {  	_ =	task.clear_ibuf [dreg:s11], $0x2FFFF;
	_ =	strace $0x9FFFFFFF  }
0xcd: {  	(tm) =	ssettm $0x7FFFFFFF  }
tec
execute0_lowered:
.L_overlay_start_1:
0x0: {  	(tag) =	ssettag $0x1  }
0x1: {  	s5 =	rddreg [dreg:$0x0]  }
0x2: {  	s9 =	rddreg [dreg:$0x1]  }
0x3: {  	s2 =	srdreg.scid;
	s0 =	stileid.u32  }
0x4: {  	s1 =	rddreg [dreg:$0x2];
	s22 =	sand.u32 $0x1, s2;
	s31 =	sshll.u32 s0, $0x1  }
0x5: {  	s15 =	rddreg [dreg:$0x3];
	s14 =	sor.u32 s22, s31  }
0x6: {  	s19 =	rddreg [dreg:$0x4];
	s6 =	sshll.u32 s0, $0x2;
	s4 =	sshll.u32 s14, $0x7  }
0x7: {  	s3 =	simm.s32 $0x0;
	s2 =	rddreg [dreg:$0x5];
	s4 =	sor.u32 s6, s4  }
0x8: {  	[smem:$0x7FF] =	sst s3;
	s7 =	sand.u32 $0x3B0, s4  }
0x9: {  	_ =	strace $0x80000047;
	s4 =	sadd.s32 s5, s7;
	s10 =	sor.u32 $0x40, s7  }
0xa: {  	[tilespmem:s3], [sflag:$0x1] =	stream.linear.gather [hbm4b:s4+s3], $0x80, $0x38;
	[tilespmem:$0x10200] =	vst v63  }
0xb: {  	s6 =	simm.s32 $0x80;
	s5 =	sadd.s32 s5, s10  }
0xc: {  	[tilespmem:s6], [sflag:$0x1] =	stream.linear.gather [hbm4b:s5+s3], $0x80, $0x38;
	[tilespmem:$0x10200] =	vst v63  }
0xd: {  	s8 =	simm.s32 $0x100;
	s7 =	sadd.s32 s9, s7  }
0xe: {  	[tilespmem:s8], [sflag:$0x1] =	stream.linear.gather [hbm4b:s7+s3], $0x80, $0x38;
	[tilespmem:$0x10200] =	vst v63  }
0xf: {  	s11 =	simm.s32 $0x1;
	s9 =	sadd.s32 s9, s10;
	s10 =	simm.s32 $0x180  }
0x10: {  	[tilespmem:s10], [sflag:$0x1] =	stream.linear.gather [hbm4b:s9+s3], $0x80, $0x38;
	[tilespmem:$0x10200] =	vst v63  }
0x11: {  	_ =	swait.ge [sflag:s11], $0x80  }
0x12: {  	[sflag:s11] =	ssyncset.done $0x0  }
0x13: {  	[sflag:s11] =	ssyncadd.s32 $0xFFFFFF80  }
0x14: {  	_ =	swait.ge [sflag:s11], $0x80  }
0x15: {  	[sflag:s11] =	ssyncset.done $0x0  }
0x16: {  	[sflag:s11] =	ssyncadd.s32 $0xFFFFFF80  }
0x17: {  	_ =	swait.ge [sflag:s11], $0x80  }
0x18: {  	[sflag:s11] =	ssyncset.done $0x0  }
0x19: {  	[sflag:s11] =	ssyncadd.s32 $0xFFFFFF80  }
0x1a: {  	_ =	swait.ge [sflag:s11], $0x80  }
0x1b: {  	[sflag:s11] =	ssyncset.done $0x0  }
0x1c: {  	s12 =	simm.s32 $0x200;
	s13 =	simm.s32 $0x2;
	[sflag:s11] =	ssyncadd.s32 $0xFFFFFF80  }
0x1d: {  	[tilespmem:s12], [sflag:$0x2] =	stream.indirect.gather [hbm4b:s1+s12], $0x80, s3, s12, $0xb8;
	[tilespmem:$0x10200] =	vst v63  }
0x1e: {  	_ =	swait.ge [sflag:s13], $0x10000  }
0x1f: {  	s17 =	sshll.u32 s14, $0xC;
	[sflag:s13] =	ssyncset.done $0x0  }
0x20: {  	s14 =	sadd.s32 s15, s17;
	s20 =	sor.u32 $0x800, s17;
	[sflag:s13] =	ssyncadd.s32 $0xFFFF0000  }
0x21: {  	[hbm4b:s14+s3] =	stream.linear.scatter [tilespmem:s12], [sflag:$0x3], $0x4000, $0x38;
	[tilespmem:$0x10200] =	vst v63  }
0x22: {  	s16 =	simm.s32 $0x4200;
	s15 =	sadd.s32 s15, s20  }
0x23: {  	[hbm4b:s15+s3] =	stream.linear.scatter [tilespmem:s16], [sflag:$0x3], $0x4000, $0x38;
	[tilespmem:$0x10200] =	vst v63  }
0x24: {  	s18 =	simm.s32 $0x8200;
	s17 =	sadd.s32 s19, s17  }
0x25: {  	[hbm4b:s17+s3] =	stream.linear.scatter [tilespmem:s18], [sflag:$0x3], $0x4000, $0x38;
	[tilespmem:$0x10200] =	vst v63  }
0x26: {  	s21 =	simm.s32 $0xC200;
	s19 =	sadd.s32 s19, s20;
	s20 =	simm.s32 $0x3  }
0x27: {  	[hbm4b:s19+s3] =	stream.linear.scatter [tilespmem:s21], [sflag:$0x3], $0x4000, $0x38;
	[tilespmem:$0x10200] =	vst v63  }
0x28: {  	_ =	swait.ge [sflag:s20], $0x4000  }
0x29: {  	s22 =	ssub.s32 $0x2, s22;
	[sflag:s20] =	ssyncset.done $0x0  }
0x2a: {  	s23 =	sshrl.u32 s22, $0x1;
	[sflag:s20] =	ssyncadd.s32 $0xFFFFC000  }
0x2b: {  	s22 =	ssub.s32 s22, s23;
	_ =	swait.ge [sflag:s20], $0x4000  }
0x2c: {  	s22 =	smax.u32 s22, $0x1;
	[sflag:s20] =	ssyncset.done $0x0  }
0x2d: {  	p0 =	sne.s32 s22, $0x1;
	[sflag:s20] =	ssyncadd.s32 $0xFFFFC000  }
.Ltmp0:
0x2e: {  	_ =	swait.ge [sflag:s20], $0x4000;
	(pc) =	sbr.rel @!p0 .LBB2_2-.Ltmp0, $4  }
0x2f: {  	[sflag:s20] =	ssyncset.done $0x0  }
0x30: {  	[sflag:s20] =	ssyncadd.s32 $0xFFFFC000  }
0x31: {  	_ =	swait.ge [sflag:s20], $0x4000  }
0x32: {  	s22 =	sadd.s32 $0xFFFFFFFF, s22;
	[sflag:s20] =	ssyncset.done $0x0  }
.LBB2_1:
0x33: {  	p0 =	sne.s32 s22, $0x1;
	s22 =	sadd.s32 $0xFFFFFFFF, s22;
	[sflag:s20] =	ssyncadd.s32 $0xFFFFC000  }
0x34: {  	[tilespmem:s3], [sflag:$0x1] =	stream.linear.gather [hbm4b:s4+s3], $0x80, $0x38;
	[tilespmem:$0x10200] =	vst v63  }
0x35: {  	_ = 	snop  }
0x36: {  	[tilespmem:s6], [sflag:$0x1] =	stream.linear.gather [hbm4b:s5+s3], $0x80, $0x38;
	[tilespmem:$0x10200] =	vst v63  }
0x37: {  	_ = 	snop  }
0x38: {  	[tilespmem:s8], [sflag:$0x1] =	stream.linear.gather [hbm4b:s7+s3], $0x80, $0x38;
	[tilespmem:$0x10200] =	vst v63  }
0x39: {  	_ = 	snop  }
0x3a: {  	[tilespmem:s10], [sflag:$0x1] =	stream.linear.gather [hbm4b:s9+s3], $0x80, $0x38;
	[tilespmem:$0x10200] =	vst v63  }
0x3b: {  	_ =	swait.ge [sflag:s11], $0x80  }
0x3c: {  	[sflag:s11] =	ssyncset.done $0x0  }
0x3d: {  	[sflag:s11] =	ssyncadd.s32 $0xFFFFFF80  }
0x3e: {  	_ =	swait.ge [sflag:s11], $0x80  }
0x3f: {  	[sflag:s11] =	ssyncset.done $0x0  }
0x40: {  	[sflag:s11] =	ssyncadd.s32 $0xFFFFFF80  }
0x41: {  	_ =	swait.ge [sflag:s11], $0x80  }
0x42: {  	[sflag:s11] =	ssyncset.done $0x0  }
0x43: {  	[sflag:s11] =	ssyncadd.s32 $0xFFFFFF80  }
0x44: {  	_ =	swait.ge [sflag:s11], $0x80  }
0x45: {  	[sflag:s11] =	ssyncset.done $0x0  }
0x46: {  	[sflag:s11] =	ssyncadd.s32 $0xFFFFFF80  }
0x47: {  	[tilespmem:s12], [sflag:$0x2] =	stream.indirect.gather [hbm4b:s1+s12], $0x80, s3, s12, $0xb8;
	[tilespmem:$0x10200] =	vst v63  }
0x48: {  	_ =	swait.ge [sflag:s13], $0x10000  }
0x49: {  	[sflag:s13] =	ssyncset.done $0x0  }
0x4a: {  	[sflag:s13] =	ssyncadd.s32 $0xFFFF0000  }
0x4b: {  	[hbm4b:s14+s3] =	stream.linear.scatter [tilespmem:s12], [sflag:$0x3], $0x4000, $0x38;
	[tilespmem:$0x10200] =	vst v63  }
0x4c: {  	_ = 	snop  }
0x4d: {  	[hbm4b:s15+s3] =	stream.linear.scatter [tilespmem:s16], [sflag:$0x3], $0x4000, $0x38;
	[tilespmem:$0x10200] =	vst v63  }
0x4e: {  	_ = 	snop  }
0x4f: {  	[hbm4b:s17+s3] =	stream.linear.scatter [tilespmem:s18], [sflag:$0x3], $0x4000, $0x38;
	[tilespmem:$0x10200] =	vst v63  }
0x50: {  	_ = 	snop  }
0x51: {  	[hbm4b:s19+s3] =	stream.linear.scatter [tilespmem:s21], [sflag:$0x3], $0x4000, $0x38;
	[tilespmem:$0x10200] =	vst v63  }
0x52: {  	_ =	swait.ge [sflag:s20], $0x4000  }
0x53: {  	[sflag:s20] =	ssyncset.done $0x0  }
0x54: {  	[sflag:s20] =	ssyncadd.s32 $0xFFFFC000  }
0x55: {  	_ =	swait.ge [sflag:s20], $0x4000  }
0x56: {  	[sflag:s20] =	ssyncset.done $0x0  }
0x57: {  	[sflag:s20] =	ssyncadd.s32 $0xFFFFC000  }
.Ltmp1:
0x58: {  	_ =	swait.ge [sflag:s20], $0x4000;
	(pc) =	sbr.rel @p0 .LBB2_1-.Ltmp1, $4  }
0x59: {  	[sflag:s20] =	ssyncset.done $0x0  }
0x5a: {  	[sflag:s20] =	ssyncadd.s32 $0xFFFFC000  }
0x5b: {  	_ =	swait.ge [sflag:s20], $0x4000  }
0x5c: {  	[sflag:s20] =	ssyncset.done $0x0  }
.LBB2_2:
0x5d: {  	[sflag:s20] =	ssyncadd.s32 $0xFFFFC000  }
0x5e: {  	_ =	sfence.sel $0x180000  }
0x5f: {  	[bflag:$0x0] =	sbarrier.arrive $0xFFFF  }
0x60: {  	p0 =	sne.s32 s0, $0x0;
	_ =	strace $0x90000047  }
0x61: {  	s0 =	sadd.s32 @!p0 $0x100000, s2;
	[bflag:$0x2] =	sbarrier.arrive $0xFFFF  }
0x62: {  	[sflag:s0] =	ssyncadd.tile.s32 @!p0 $0x1;
	_ =	shalt  }
.Lfunc_end2:
_tile_overlayer_lowered:
.L_overlay_start_2:
0x63: {  	(tag) =	ssettag $0x2  }
0x64: {  	s0 =	rddreg [dreg:$0x0];
	s2 =	stileid.u32  }
0x65: {  	s1 =	rddreg [dreg:$0x1];
	p0 =	sne.s32 s2, $0x0  }
0x66: {  	s3 =	rddreg [dreg:$0x2];
	[bflag:$0x3] =	sbarrier.arrive $0xFFFF;
	s2 =	simm.s32 @!p0 $0x1C04  }
0x67: {  	[timem:s3], [sflag:s2] =	dma.local @!p0 [hbm:s0], s1  }
0x68: {  	s0 =	simm.s32 @!p0 $0x4  }
0x69: {  	_ =	swait.ge @!p0 [sflag:s0], s1  }
0x6a: {  	s1 =	ssub.s32 @!p0 $0x0, s1;
	[sflag:s0] =	ssyncset.done @!p0 $0x0  }
0x6b: {  	[sflag:s0] =	ssyncadd.s32 @!p0 s1  }
0x6c: {  	[bflag:$0x3] =	sbarrier.arrive $0xFFFF  }
0x6d: {  	_ =	shalt  }

</sc_bundles>
